<compile_context>
chip_gen: v7x
topology: tpu7x:2x2x1
jax: 0.10.2.dev20260603
libtpu: 0.0.44.dev20260713+nightly
codegen_flags: <defaults>
</compile_context>

<pallas_src>
import functools

import jax
import jax.numpy as jnp
import numpy as np
from jax import lax
from jax.experimental import pallas as pl
from jax.experimental.pallas import tpu as pltpu
from jax.experimental.pallas import tpu_sc as plsc

EPS = 1e-5
B = 8
NC = 2
NS = 16
NW = NC * NS
_MESH = plsc.VectorSubcoreMesh(core_axis_name="c", subcore_axis_name="s")


def _ceil_to(x, m):
    return ((x + m - 1) // m) * m


@functools.partial(jax.jit, static_argnames=("n_pad", "ch", "nchunks"))
def _histogram_call(dstp, n_pad, ch, nchunks):
    epw = ch * nchunks

    def body(dst_hbm, out_hbm, dst_v, acc_v):
        cid = lax.axis_index("c")
        sid = lax.axis_index("s")
        wid = sid * NC + cid

        def zrow(i, _):
            acc_v[i, :] = jnp.zeros((16,), jnp.float32)
            return 0
        lax.fori_loop(0, n_pad // 16, zrow, 0)

        ones16 = jnp.ones((16,), jnp.float32)

        def step(t, _):
            base = pl.multiple_of((wid * epw + t * ch) // 16, 8)
            pltpu.sync_copy(dst_hbm.at[pl.ds(base, ch // 16)], dst_v)
            def inner(j, _):
                idx = dst_v[j, :]
                plsc.addupdate_scatter(acc_v, [idx >> 4, idx & 15], ones16)
                return 0
            lax.fori_loop(0, ch // 16, inner, 0)
            return 0
        lax.fori_loop(0, nchunks, step, 0)
        pltpu.sync_copy(acc_v, out_hbm.at[wid])

    return pl.kernel(
        body,
        out_type=jax.ShapeDtypeStruct((NW, n_pad // 16, 16), jnp.float32),
        mesh=_MESH,
        scratch_types=[
            pltpu.VMEM((ch // 16, 16), jnp.int32),
            pltpu.VMEM((n_pad // 16, 16), jnp.float32),
        ],
    )(dstp.reshape(-1, 16))


def _degree(dstp, n_out):
    ch = 2048
    n_pad = _ceil_to(n_out + 1, 16)
    e = dstp.shape[0]
    epad = _ceil_to(e, NW * ch)
    if epad != e:
        dstp = jnp.concatenate([dstp, jnp.full((epad - e,), n_out, jnp.int32)])
    return jnp.zeros((n_out + 1,), jnp.float32).at[dstp].add(1.0)[:n_out]


@functools.partial(jax.jit, static_argnames=("n_pad", "ch", "nchunks"))
def _edge_agg_call(table, srcp, dstp, n_pad, ch, nchunks):
    T, F = table.shape
    epw = ch * nchunks
    zrows = min(64, n_pad)

    def body(table_hbm, src_hbm, dst_hbm, out_hbm, src_v, dst_v, rows_v, zbuf, acc_sh, gsem):
        cid = lax.axis_index("c")
        sid = lax.axis_index("s")
        wid = sid * NC + cid

        def zrow(i, _):
            for j in range(F // 16):
                zbuf[i, pl.ds(j * 16, 16)] = jnp.zeros((16,), jnp.float32)
            return 0
        lax.fori_loop(0, zrows, zrow, 0)
        rows_per = n_pad // NS
        nz = rows_per // zrows

        def zcopy(i, _):
            pltpu.sync_copy(zbuf, acc_sh.at[pl.ds(sid * rows_per + i * zrows, zrows)])
            return 0
        lax.fori_loop(0, nz, zcopy, 0)
        if rows_per % zrows:
            pltpu.sync_copy(zbuf, acc_sh.at[pl.ds(sid * rows_per + rows_per - zrows, zrows)])
        plsc.subcore_barrier()

        def step(t, _):
            base = wid * epw + t * ch
            pltpu.sync_copy(src_hbm.at[pl.ds(base, ch)], src_v)
            pltpu.sync_copy(dst_hbm.at[pl.ds(base, ch)], dst_v)
            pltpu.async_copy(table_hbm.at[src_v], rows_v, gsem).wait()
            pltpu.sync_copy(rows_v, acc_sh.at[dst_v], add=True)
            return 0
        lax.fori_loop(0, nchunks, step, 0)
        plsc.subcore_barrier()
        pltpu.sync_copy(acc_sh.at[pl.ds(sid * rows_per, rows_per)],
                        out_hbm.at[pl.ds((cid * NS + sid) * rows_per, rows_per)])

    out = pl.kernel(
        body,
        out_type=jax.ShapeDtypeStruct((NC * n_pad, F), jnp.float32),
        mesh=_MESH,
        scratch_types=[
            pltpu.VMEM((ch,), jnp.int32),
            pltpu.VMEM((ch,), jnp.int32),
            pltpu.VMEM((ch, F), jnp.float32),
            pltpu.VMEM((zrows, F), jnp.float32),
            pltpu.VMEM_SHARED((n_pad, F), jnp.float32),
            pltpu.SemaphoreType.DMA,
        ],
    )(table, srcp, dstp)
    return out[:n_pad] + out[n_pad:]


def _edge_agg(table_nozero, srcp, dstp, n_out, esplit=2):
    n_in, F = table_nozero.shape
    ch = 128
    n_pad = _ceil_to(n_out, NS * 8)
    e = srcp.shape[0]
    part = _ceil_to((e + esplit - 1) // esplit, NW * ch)
    epad = part * esplit
    table = jnp.concatenate([table_nozero, jnp.zeros((1, F), jnp.float32)], 0)
    if epad != e:
        srcp = jnp.concatenate([srcp, jnp.full((epad - e,), n_in, jnp.int32)])
        dstp = jnp.concatenate([dstp, jnp.zeros((epad - e,), jnp.int32)])
    nchunks = part // (NW * ch)
    acc = None
    for s in range(esplit):
        out = _edge_agg_call(table, srcp[s * part:(s + 1) * part],
                             dstp[s * part:(s + 1) * part], n_pad, ch, nchunks)
        acc = out if acc is None else acc + out
    return acc[:n_out]


def _agg_wide(table, srcp, dstp, n_out, fchunk=128, esplit=1):
    F = table.shape[1]
    if F % fchunk:
        table = jnp.pad(table, ((0, 0), (0, fchunk - F % fchunk)))
    outs = []
    for f0 in range(0, table.shape[1], fchunk):
        outs.append(_edge_agg(table[:, f0:f0 + fchunk], srcp, dstp, n_out, esplit))
    out = jnp.concatenate(outs, axis=1) if len(outs) > 1 else outs[0]
    return out[:, :F]


@functools.partial(jax.jit, static_argnames=("ch", "nchunks"))
def _row_gather_call(table, idx, ch, nchunks):
    T, F = table.shape
    rpw = ch * nchunks

    def body(table_hbm, idx_hbm, out_hbm, idx_v, rows_v, gsem):
        cid = lax.axis_index("c")
        sid = lax.axis_index("s")
        wid = sid * NC + cid

        def step(t, _):
            base = wid * rpw + t * ch
            pltpu.sync_copy(idx_hbm.at[pl.ds(base, ch)], idx_v)
            pltpu.async_copy(table_hbm.at[idx_v], rows_v, gsem).wait()
            pltpu.sync_copy(rows_v, out_hbm.at[pl.ds(base, ch)])
            return 0
        lax.fori_loop(0, nchunks, step, 0)

    return pl.kernel(
        body,
        out_type=jax.ShapeDtypeStruct((NW * rpw, F), jnp.float32),
        mesh=_MESH,
        scratch_types=[
            pltpu.VMEM((ch,), jnp.int32),
            pltpu.VMEM((ch, F), jnp.float32),
            pltpu.SemaphoreType.DMA,
        ],
    )(table, idx)


def _row_gather(table, idx):
    n, F = table.shape
    ch = 64 if F > 256 else 128
    m = idx.shape[0]
    mpad = _ceil_to(m, NW * ch)
    if mpad != m:
        idx = jnp.concatenate([idx, jnp.zeros((mpad - m,), jnp.int32)])
    out = _row_gather_call(table, idx, ch, mpad // (NW * ch))
    return out[:m]


def _readout(h4, nb, k):
    F = h4.shape[1]

    def body(h_ref, o_ref):
        for g in range(nb):
            rows = h_ref[pl.ds(g * k, k), :]
            o_ref[g, :] = jnp.mean(rows, axis=0) + jnp.max(rows, axis=0)

    return pl.pallas_call(
        body,
        out_shape=jax.ShapeDtypeStruct((nb, F), jnp.float32),
    )(h4)


def _sel(score, nb, nper, k):
    s = score.reshape(nb, nper)
    vals_k, idx = jax.lax.top_k(s, k)
    perm = (idx + (jnp.arange(nb) * nper)[:, None]).reshape(-1)
    n = nb * nper
    newn = nb * k
    kept = jnp.zeros((n,), jnp.float32).at[perm].set(1.0)
    inv = jnp.zeros((n,), jnp.int32).at[perm].set(jnp.arange(newn, dtype=jnp.int32))
    vals = s.reshape(-1)
    return kept, inv, perm.astype(jnp.int32), vals


def _bn_relu(h, g, b):
    m = h.mean(0)
    v = h.var(0)
    return jax.nn.relu((h - m) / jnp.sqrt(v + EPS) * g + b)


def _gcn_exact(x, src, dst, ew, deg, W, b, n):
    h = x @ W
    dis = jnp.where(deg > 0, 1.0 / jnp.sqrt(jnp.where(deg > 0, deg, 1.0)), 0.0)
    norm = dis[src] * ew * dis[dst]
    return jnp.zeros((n, W.shape[1]), jnp.float32).at[dst].add(h[src] * norm[:, None]) + b


def _pool(h, src, dst, ew, n, nper, ratio, Wrel, brel, Wroot, selw):
    agg = jnp.zeros((n, h.shape[1]), jnp.float32).at[dst].add(h[src] * ew[:, None])
    attn = agg @ Wrel + brel + h @ Wroot
    score = jnp.tanh((attn * selw).sum(-1) / jnp.sqrt((selw ** 2).sum()))
    nb = n // nper
    k = int(np.ceil(ratio * nper))
    kept, inv, perm, vals = _sel(score, nb, nper, k)
    newn = nb * k
    xn = _row_gather(h, perm) * vals[perm][:, None]
    return xn, kept, inv, newn, k


def kernel(x, edge_index, batch_size, W1, b1, W2, b2, W3, b3, W4, b4, g1, beta1, g2, beta2, g3, beta3, p1_rel_W, p1_rel_b, p1_root_W, p1_sel_w, p2_rel_W, p2_rel_b, p2_root_W, p2_sel_w, p3_rel_W, p3_rel_b, p3_root_W, p3_sel_w):
    src, dst = edge_index[0], edge_index[1]
    n = x.shape[0]
    nper = n // B
    ew = jnp.ones((src.shape[0],), jnp.float32)

    deg1 = _degree(dst, n)
    h1 = _bn_relu(_gcn_exact(x, src, dst, ew, deg1, W1, b1, n), g1, beta1)
    xn1, kept1, inv1, n2, k1 = _pool(h1, src, dst, ew, n, nper, 0.6, p1_rel_W, p1_rel_b, p1_root_W, p1_sel_w)
    src2 = inv1[src]
    dst2 = inv1[dst]
    ew2 = ew * kept1[src] * kept1[dst]

    deg2 = _degree(jnp.where(ew2 > 0, dst2, n2).astype(jnp.int32), n2)
    h2 = _bn_relu(_gcn_exact(xn1, src2, dst2, ew2, deg2, W2, b2, n2), g2, beta2)
    xn2, kept2, inv2, n3, k2 = _pool(h2, src2, dst2, ew2, n2, k1, 0.6, p2_rel_W, p2_rel_b, p2_root_W, p2_sel_w)
    src3 = inv2[src2]
    dst3 = inv2[dst2]
    ew3 = ew2 * kept2[src2] * kept2[dst2]

    deg3 = _degree(jnp.where(ew3 > 0, dst3, n3).astype(jnp.int32), n3)
    h3 = _bn_relu(_gcn_exact(xn2, src3, dst3, ew3, deg3, W3, b3, n3), g3, beta3)
    xn3, kept3, inv3, n4, k3 = _pool(h3, src3, dst3, ew3, n3, k2, 0.5, p3_rel_W, p3_rel_b, p3_root_W, p3_sel_w)
    src4 = inv3[src3]
    dst4 = inv3[dst3]
    ew4 = ew3 * kept3[src3] * kept3[dst3]

    deg4 = _degree(jnp.where(ew4 > 0, dst4, n4).astype(jnp.int32), n4)
    dis4 = jnp.where(deg4 > 0, 1.0 / jnp.sqrt(jnp.where(deg4 > 0, deg4, 1.0)), 0.0)
    z4 = (xn3 @ W4) * dis4[:, None]
    live4 = ew4 > 0
    src4z = jnp.where(live4, src4, n4).astype(jnp.int32)
    dst4z = jnp.where(live4, dst4, 0).astype(jnp.int32)
    agg4 = _agg_wide(z4, src4z, dst4z, n4)
    h4 = agg4 * dis4[:, None] + b4

    return _readout(h4, B, k3) + batch_size * jnp.zeros((), jnp.float32)

# --- scband reference (transcript-rebuilt; emitter-appended) ---
"""Pipeline reference for scband-gcn-block-22273700397176 (READ-ONLY COPY).

The authoritative reference and input builder live on the scoring server;
editing this copy changes nothing except your own understanding.
"""

import jax, jax.numpy as jnp
import numpy as np

N = 10000
E = 320000
B = 8
IN_CHAN = 128
EPS = 1e-5

def _glorot(key, fan_in, fan_out):
    lim = np.sqrt(6.0 / (fan_in + fan_out))
    return jax.random.uniform(key, (fan_in, fan_out), minval=-lim, maxval=lim, dtype=jnp.float32)

def setup_inputs(seed: int = 0):
    key = jax.random.key(seed)
    ks = jax.random.split(key, 40)
    inp = {}
    inp["x"] = jax.random.normal(ks[0], (N, IN_CHAN), dtype=jnp.float32)
    inp["edge_index"] = jax.random.randint(ks[1], (2, E), 0, N, dtype=jnp.int32)
    inp["batch_size"] = B
    dims = [(IN_CHAN, 512), (512, 512), (512, 256), (256, 192)]
    for i, (di, do) in enumerate(dims, start=1):
        inp["W%d" % i] = _glorot(ks[1 + i], di, do)
        inp["b%d" % i] = jnp.zeros((do,), jnp.float32)
    for i, d in enumerate([512, 512, 256], start=1):
        inp["g%d" % i] = jnp.ones((d,), jnp.float32)
        inp["beta%d" % i] = jnp.zeros((d,), jnp.float32)
    for i, d in enumerate([512, 512, 256], start=1):
        inp["p%d_rel_W" % i] = _glorot(ks[10 + 3 * i], d, 1)
        inp["p%d_rel_b" % i] = jnp.zeros((1,), jnp.float32)
        inp["p%d_root_W" % i] = _glorot(ks[11 + 3 * i], d, 1)
        inp["p%d_sel_w" % i] = jax.random.uniform(ks[12 + 3 * i], (1,), minval=-1.0, maxval=1.0, dtype=jnp.float32)
    return inp

def _gcn_conv(x, src, dst, ew, W, b, n):
    h = x @ W
    deg = jnp.zeros((n,), jnp.float32).at[dst].add(ew)
    dis = jnp.where(deg > 0, 1.0 / jnp.sqrt(jnp.where(deg > 0, deg, 1.0)), 0.0)
    norm = dis[src] * ew * dis[dst]
    return jnp.zeros((n, W.shape[1]), jnp.float32).at[dst].add(h[src] * norm[:, None]) + b

def _batch_norm(x, g, b):
    m = x.mean(axis=0)
    v = x.var(axis=0)
    return (x - m) / jnp.sqrt(v + EPS) * g + b

def _graph_conv(x, src, dst, ew, Wrel, brel, Wroot, n):
    agg = jnp.zeros((n, x.shape[1]), jnp.float32).at[dst].add(x[src] * ew[:, None])
    return agg @ Wrel + brel + x @ Wroot

def _sag_pool(x, src, dst, ew, n, nper, ratio, Wrel, brel, Wroot, selw):
    attn = _graph_conv(x, src, dst, ew, Wrel, brel, Wroot, n)
    score = jnp.tanh((attn * selw).sum(-1) / jnp.sqrt((selw ** 2).sum()))
    nb = n // nper
    k = int(np.ceil(ratio * nper))
    vals, idx = jax.lax.top_k(score.reshape(nb, nper), k)
    perm = (idx + (jnp.arange(nb) * nper)[:, None]).reshape(-1)
    newn = nb * k
    xn = x[perm] * vals.reshape(-1)[:, None]
    kept = jnp.zeros((n,), jnp.float32).at[perm].set(1.0)
    inv = jnp.zeros((n,), jnp.int32).at[perm].set(jnp.arange(newn, dtype=jnp.int32))
    return xn, inv[src], inv[dst], ew * kept[src] * kept[dst], newn, k

def reference(x, edge_index, batch_size, W1, b1, W2, b2, W3, b3, W4, b4, g1, beta1, g2, beta2, g3, beta3, p1_rel_W, p1_rel_b, p1_root_W, p1_sel_w, p2_rel_W, p2_rel_b, p2_root_W, p2_sel_w, p3_rel_W, p3_rel_b, p3_root_W, p3_sel_w):
    src, dst = edge_index[0], edge_index[1]
    ew = jnp.ones((src.shape[0],), jnp.float32)
    n = x.shape[0]
    nper = n // B
    h = jax.nn.relu(_batch_norm(_gcn_conv(x, src, dst, ew, W1, b1, n), g1, beta1))
    h, src, dst, ew, n, nper = _sag_pool(h, src, dst, ew, n, nper, 0.6, p1_rel_W, p1_rel_b, p1_root_W, p1_sel_w)
    h = jax.nn.relu(_batch_norm(_gcn_conv(h, src, dst, ew, W2, b2, n), g2, beta2))
    h, src, dst, ew, n, nper = _sag_pool(h, src, dst, ew, n, nper, 0.6, p2_rel_W, p2_rel_b, p2_root_W, p2_sel_w)
    h = jax.nn.relu(_batch_norm(_gcn_conv(h, src, dst, ew, W3, b3, n), g3, beta3))
    h, src, dst, ew, n, nper = _sag_pool(h, src, dst, ew, n, nper, 0.5, p3_rel_W, p3_rel_b, p3_root_W, p3_sel_w)
    h = _gcn_conv(h, src, dst, ew, W4, b4, n)
    hb = h.reshape(B, nper, h.shape[1])
    return hb.mean(axis=1) + hb.max(axis=1) + batch_size * jnp.zeros((), hb.dtype)

if __name__ == "__main__":
    import jax
    _d = setup_inputs()
    print(jax.jit(kernel)(*tuple(_d.values())))

</pallas_src>

<mosaic_0001>
#map = affine_map<(d0, d1) -> (0, 0)>
#map1 = affine_map<(d0, d1) -> (0)>
module attributes {stable_mosaic.version = 14 : i64} {
  func.func @body(%arg0: i32, %arg1: i32, %arg2: memref<10000x512xf32, #tpu.memory_space<hbm>>, %arg3: memref<6144xi32, #tpu.memory_space<hbm>>, %arg4: memref<6144x512xf32, #tpu.memory_space<hbm>>, %arg5: memref<64xi32, #tpu.memory_space<vmem>>, %arg6: memref<64x512xf32, #tpu.memory_space<vmem>>, %arg7: memref<!tpu.dma_semaphore, #tpu.memory_space<semaphore_mem>>) attributes {dimension_semantics = [#tpu.dimension_semantics<core_parallel>, #tpu.dimension_semantics<subcore_parallel>], iteration_bounds = array<i64: 2, 16>, scalar_prefetch = 0 : i64, scratch_operands = 3 : i64, tpu.core_type = #tpu.core_type<sc_vector_subcore>, window_params = [{transform_indices = #map}, {transform_indices = #map1}, {transform_indices = #map}]} {
    %mul3A = arith.constant 2 : i32
    %mul3A_0 = arith.muli %arg1, %mul3A : i32
    %add3A = arith.addi %mul3A_0, %arg0 : i32
    %scan3A = arith.constant 0 : i32
    %scan3A_1 = arith.constant 0 : i32
    %scan3A_2 = arith.constant 3 : i32
    %scan3A_3 = arith.addi %scan3A_1, %scan3A_2 : i32
    %scan3A_4 = arith.constant 1 : i32
    %scan3A_5 = scf.for %scan3A_7 = %scan3A_1 to %scan3A_3 step %scan3A_4 iter_args(%scan3A_8 = %scan3A) -> (i32)  : i32 {
      %mul3A_9 = arith.constant 192 : i32
      %mul3A_10 = arith.muli %add3A, %mul3A_9 : i32
      %mul3A_11 = arith.constant 64 : i32
      %mul3A_12 = arith.muli %scan3A_7, %mul3A_11 : i32
      %add3A_13 = arith.addi %mul3A_10, %mul3A_12 : i32
      "tpu.region"() ({
        %run_scoped3A = tpu.sem_alloc : memref<!tpu.dma_semaphore, #tpu.memory_space<semaphore_mem>>
        %dma_start3A_19 = tpu.memref_slice %arg3[%add3A_13] : memref<6144xi32, #tpu.memory_space<hbm>> -> memref<64xi32, #tpu.memory_space<hbm>>
        %dma_start3A_20 = tpu.memref_slice %arg3[%add3A_13] : memref<6144xi32, #tpu.memory_space<hbm>> -> memref<64xi32, #tpu.memory_space<hbm>>
        tpu.enqueue_dma source(%dma_start3A_20 : memref<64xi32, #tpu.memory_space<hbm>>) target(%arg5 : memref<64xi32, #tpu.memory_space<vmem>>) target_semaphore(%run_scoped3A : memref<!tpu.dma_semaphore, #tpu.memory_space<semaphore_mem>>)
        %dma_wait3A_21 = tpu.memref_slice %arg3[%add3A_13] : memref<6144xi32, #tpu.memory_space<hbm>> -> memref<64xi32, #tpu.memory_space<hbm>>
        %dma_wait3A_22 = tpu.memref_slice %arg3[%add3A_13] : memref<6144xi32, #tpu.memory_space<hbm>> -> memref<64xi32, #tpu.memory_space<hbm>>
        tpu.wait_dma2 semaphore(%run_scoped3A : memref<!tpu.dma_semaphore, #tpu.memory_space<semaphore_mem>>) src(%dma_wait3A_22 : memref<64xi32, #tpu.memory_space<hbm>>) dst(%arg5 : memref<64xi32, #tpu.memory_space<vmem>>)
        tpu.yield
      }) : () -> ()
      %dma_start3A = arith.constant 0 : i32
      %dma_start3A_14 = arith.constant 0 : i32
      %dma_start3A_15 = tpu.memref_slice %arg2[%dma_start3A, %dma_start3A_14] : memref<10000x512xf32, #tpu.memory_space<hbm>> -> memref<10000x512xf32, #tpu.memory_space<hbm>>
      tpu.enqueue_indirect_dma source(%dma_start3A_15 : memref<10000x512xf32, #tpu.memory_space<hbm>>) target(%arg6 : memref<64x512xf32, #tpu.memory_space<vmem>>) offsets(%arg5 : memref<64xi32, #tpu.memory_space<vmem>>) semaphore(%arg7 : memref<!tpu.dma_semaphore, #tpu.memory_space<semaphore_mem>>)
      %dma_wait3A = arith.constant 0 : i32
      %dma_wait3A_16 = arith.constant 0 : i32
      %dma_wait3A_17 = tpu.memref_slice %arg2[%dma_wait3A, %dma_wait3A_16] : memref<10000x512xf32, #tpu.memory_space<hbm>> -> memref<10000x512xf32, #tpu.memory_space<hbm>>
      tpu.wait_indirect_dma semaphore(%arg7 : memref<!tpu.dma_semaphore, #tpu.memory_space<semaphore_mem>>) src(%dma_wait3A_17 : memref<10000x512xf32, #tpu.memory_space<hbm>>) dst(%arg6 : memref<64x512xf32, #tpu.memory_space<vmem>>)
      "tpu.region"() ({
        %run_scoped3A = tpu.sem_alloc : memref<!tpu.dma_semaphore, #tpu.memory_space<semaphore_mem>>
        %dma_start3A_19 = arith.constant 0 : i32
        %dma_start3A_20 = tpu.memref_slice %arg4[%add3A_13, %dma_start3A_19] : memref<6144x512xf32, #tpu.memory_space<hbm>> -> memref<64x512xf32, #tpu.memory_space<hbm>>
        %dma_start3A_21 = arith.constant 0 : i32
        %dma_start3A_22 = tpu.memref_slice %arg4[%add3A_13, %dma_start3A_21] : memref<6144x512xf32, #tpu.memory_space<hbm>> -> memref<64x512xf32, #tpu.memory_space<hbm>>
        tpu.enqueue_dma source(%arg6 : memref<64x512xf32, #tpu.memory_space<vmem>>) target(%dma_start3A_22 : memref<64x512xf32, #tpu.memory_space<hbm>>) target_semaphore(%run_scoped3A : memref<!tpu.dma_semaphore, #tpu.memory_space<semaphore_mem>>)
        %dma_wait3A_23 = arith.constant 0 : i32
        %dma_wait3A_24 = tpu.memref_slice %arg4[%add3A_13, %dma_wait3A_23] : memref<6144x512xf32, #tpu.memory_space<hbm>> -> memref<64x512xf32, #tpu.memory_space<hbm>>
        %dma_wait3A_25 = arith.constant 0 : i32
        %dma_wait3A_26 = tpu.memref_slice %arg4[%add3A_13, %dma_wait3A_25] : memref<6144x512xf32, #tpu.memory_space<hbm>> -> memref<64x512xf32, #tpu.memory_space<hbm>>
        tpu.wait_dma2 semaphore(%run_scoped3A : memref<!tpu.dma_semaphore, #tpu.memory_space<semaphore_mem>>) src(%arg6 : memref<64x512xf32, #tpu.memory_space<vmem>>) dst(%dma_wait3A_26 : memref<64x512xf32, #tpu.memory_space<hbm>>)
        tpu.yield
      }) : () -> ()
      %scan3A_18 = arith.constant 0 : i32
      scf.yield %scan3A_18 : i32
    }
    %scan3A_6 = arith.constant 3 : i32
    return
  }
}

</mosaic_0001>

<sc_bundles>
// kernel: _row_gather_call.3.cloned.1.call-start
scs
__scs_entry_jumppad:
0x0: {  	(pc) =	sbr.rel $0x88, $3  }
0x1: {  	(tag) =	ssettag $0x0;
	lr =	simm.s32 $0x1  }
0x2: {  	[smem:$0x3F9F] =	sst lr;
	_ =	strace $0xD0000000  }
0x3: {  	_ = 	snop  }
0x4: {  	_ = 	snop  }
0x5: {  	_ = 	snop  }
0x6: {  	_ = 	snop  }
0x7: {  	_ = 	snop  }
__scs_overlays_trampoline_lowered:
0x8: {  	[smem:$0x3FAE] =	sst s0  }
0x9: {  	[smem:$0x3FAF] =	sst s1  }
0xa: {  	[smem:$0x3FB0] =	sst s2  }
0xb: {  	[smem:$0x3FB1] =	sst s3  }
0xc: {  	[smem:$0x3FB2] =	sst s4  }
0xd: {  	[smem:$0x3FB3] =	sst s5  }
0xe: {  	[smem:$0x3FB4] =	sst s6  }
0xf: {  	[smem:$0x3FB5] =	sst s7  }
0x10: {  	[smem:$0x3FB6] =	sst s8  }
0x11: {  	[smem:$0x3FB7] =	sst s9;
	s0 =	simm.s32 @!p0 $0x0  }
0x12: {  	s1 =	sld [smem:$0x3F9D];
	s0 =	simm.s32 @p0 $0x1  }
0x13: {  	[smem:$0x3FB8] =	sst s0;
	s0 =	simm.s32 @!p1 $0x0  }
0x14: {  	s2 =	sld [smem:$0x3F9C];
	s0 =	simm.s32 @p1 $0x1  }
0x15: {  	[smem:$0x3FB9] =	sst s0;
	s0 =	simm.s32 @!p2 $0x0  }
0x16: {  	s3 =	sld [smem:$0x3FDB];
	s0 =	simm.s32 @p2 $0x1  }
0x17: {  	s4 =	simm.s32 $0x1BF5;
	[smem:$0x3FBB] =	sst s0  }
0x18: {  	s0 =	sld [smem:$0x3F9E];
	_ =	swait.ge [sflag:s4], $0x0  }
0x19: {  	s7 =	sld [smem:$0x3F9F]  }
0x1a: {  	s8 =	sadd.s32 $0xFFFFE003, lr  }
0x1b: {  	s9 =	sadd.s32 $0xFFFFFEF7, lr;
	s5 =	simm.s32 $0xFFFFFFFF;
	p2 =	slt.u32 s8, $0xFFFFF086  }
0x1c: {  	p1 =	slt.u32 s9, $0xF7A;
	s5 =	simm.s32 @!p2 $0x0  }
0x1d: {  	s5 =	simm.s32 @p1 $0x1;
	p0 =	seq.s32 s7, s2  }
0x1e: {  	s7 =	smul.u32 @!p0 $0xF7A, s2;
	p2 =	seq.s32 @!p0 s5, $0x0  }
0x1f: {  	s9 =	smul.u32 $0xF7A, s1;
	s8 =	simm.s32 @!p0 $0x1BF5;
	p2 =	por !p2, p0  }
0x20: {  	[sflag:s8] =	ssyncset.s32 @!p0 $0xFFFFF086;
	s6 =	sadd.s32 @!p0 s3, s7;
	s7 =	simm.s32 @!p0 $0x108  }
0x21: {  	s3 =	sadd.s32 s3, s9;
	s6 =	sadd.s32 @!p0 $0x88, s6;
	s7 =	simm.s32 @p2 $0x1082  }
0x22: {  	[simem:s7], [sflag:s8] =	dma.local @!p0 [hbm:s6], $0xF7A  }
0x23: {  	s9 =	sor.u32 $0xD0000000, s2;
	s6 =	simm.s32 $0x108;
	_ =	swait.ge @!p0 [sflag:s8], $0x0  }
0x24: {  	s3 =	sadd.s32 $0x88, s3;
	s6 =	simm.s32 @!p1 $0x1082;
	[sflag:s4] =	ssyncset.s32 $0xFFFFF086  }
0x25: {  	[simem:s6], [sflag:s4] =	dma.local [hbm:s3], $0xF7A  }
0x26: {  	[smem:$0x3F9F] =	sst s1;
	(tag) =	ssettag s2;
	_ =	strace s9  }
0x27: {  	s1 =	sld [smem:$0x3FAF]  }
0x28: {  	s2 =	sld [smem:$0x3FB0]  }
0x29: {  	s4 =	sld [smem:$0x3FB2]  }
0x2a: {  	p0 =	seq.s32 s5, $0x0;
	s5 =	sld [smem:$0x3FB3]  }
0x2b: {  	s6 =	sld [smem:$0x3FB4]  }
0x2c: {  	s7 =	sld [smem:$0x3FB5]  }
0x2d: {  	s3 =	simm.s32 $0x108;
	s8 =	sld [smem:$0x3FB6]  }
0x2e: {  	s3 =	simm.s32 @!p0 $0x1082;
	s9 =	sld [smem:$0x3FB7]  }
0x2f: {  	lr =	sadd.s32 s0, s3;
	s0 =	sld [smem:$0x3FAE]  }
0x30: {  	s3 =	sld [smem:$0x3FB1]  }
0x31: {  	[smem:$0x3FBA] =	sst s10  }
0x32: {  	s10 =	sld [smem:$0x3FB8];
	_ =	sdelay $0x3  }
0x33: {  	p0 =	seq.s32 s10, $0x1;
	s10 =	sld [smem:$0x3FBA];
	_ =	sdelay $0x3  }
0x34: {  	[smem:$0x3FBA] =	sst s10  }
0x35: {  	s10 =	sld [smem:$0x3FB9];
	_ =	sdelay $0x3  }
0x36: {  	p1 =	seq.s32 s10, $0x1;
	s10 =	sld [smem:$0x3FBA];
	_ =	sdelay $0x3  }
0x37: {  	[smem:$0x3FBA] =	sst s10  }
0x38: {  	s10 =	sld [smem:$0x3FBB]  }
0x39: {  	_ = 	snop;
	(pc) =	sbr.ind lr, $3  }
0x3a: {  	_ = 	snop  }
0x3b: {  	_ = 	snop  }
0x3c: {  	p2 =	seq.s32 s10, $0x1;
	s10 =	sld [smem:$0x3FBA]  }
0x3d: {  	_ =	shalt  }
0x3e: {  	_ =	shalt  }
0x3f: {  	_ =	shalt  }
0x40: {  	_ =	shalt  }
0x41: {  	_ =	shalt  }
0x42: {  	_ =	shalt  }
0x43: {  	_ =	shalt  }
0x44: {  	_ =	shalt  }
0x45: {  	_ =	shalt  }
0x46: {  	_ =	shalt  }
0x47: {  	_ =	shalt  }
0x48: {  	_ =	shalt  }
0x49: {  	_ =	shalt  }
0x4a: {  	_ =	shalt  }
0x4b: {  	_ =	shalt  }
0x4c: {  	_ =	shalt  }
0x4d: {  	_ =	shalt  }
0x4e: {  	_ =	shalt  }
0x4f: {  	_ =	shalt  }
0x50: {  	_ =	shalt  }
0x51: {  	_ =	shalt  }
0x52: {  	_ =	shalt  }
0x53: {  	_ =	shalt  }
0x54: {  	_ =	shalt  }
0x55: {  	_ =	shalt  }
0x56: {  	_ =	shalt  }
0x57: {  	_ =	shalt  }
0x58: {  	_ =	shalt  }
0x59: {  	_ =	shalt  }
0x5a: {  	_ =	shalt  }
0x5b: {  	_ =	shalt  }
0x5c: {  	_ =	shalt  }
0x5d: {  	_ =	shalt  }
0x5e: {  	_ =	shalt  }
0x5f: {  	_ =	shalt  }
0x60: {  	_ =	shalt  }
0x61: {  	_ =	shalt  }
0x62: {  	_ =	shalt  }
0x63: {  	_ =	shalt  }
0x64: {  	_ =	shalt  }
0x65: {  	_ =	shalt  }
0x66: {  	_ =	shalt  }
0x67: {  	_ =	shalt  }
0x68: {  	_ =	shalt  }
0x69: {  	_ =	shalt  }
0x6a: {  	_ =	shalt  }
0x6b: {  	_ =	shalt  }
0x6c: {  	_ =	shalt  }
0x6d: {  	_ =	shalt  }
0x6e: {  	_ =	shalt  }
0x6f: {  	_ =	shalt  }
0x70: {  	_ =	shalt  }
0x71: {  	_ =	shalt  }
0x72: {  	_ =	shalt  }
0x73: {  	_ =	shalt  }
0x74: {  	_ =	shalt  }
0x75: {  	_ =	shalt  }
0x76: {  	_ =	shalt  }
0x77: {  	_ =	shalt  }
0x78: {  	_ =	shalt  }
0x79: {  	_ =	shalt  }
0x7a: {  	_ =	shalt  }
0x7b: {  	_ =	shalt  }
0x7c: {  	_ =	shalt  }
0x7d: {  	_ =	shalt  }
0x7e: {  	_ =	shalt  }
0x7f: {  	_ =	shalt  }
0x80: {  	_ =	shalt  }
0x81: {  	_ =	shalt  }
0x82: {  	_ =	shalt  }
0x83: {  	_ =	shalt  }
0x84: {  	_ =	shalt  }
0x85: {  	_ =	shalt  }
0x86: {  	_ =	shalt  }
0x87: {  	_ =	shalt  }
.Lfunc_end0:
.L_simem_size_0:
called_computation_lowered:
.L_overlay_start_0:
0x88: {  	s2 =	sld [smem:$0x3FD9]  }
0x89: {  	s3 =	sld [smem:$0x3FFE];
	_ =	sdelay $0x1  }
0x8a: {  	s1 =	srdreg.scid  }
0x8b: {  	s0 =	sand.u32 $0x1, s1  }
0x8c: {  	s18 =	sshll.u32 s0, $0xA;
	s2 =	sadd.s32 s3, s2  }
0x8d: {  	s2 =	sadd.s32 s2, s18  }
0x8e: {  	[smem:$0x3FC6] =	sst s2  }
0x8f: {  	_ = 	snop  }
0x90: {  	s2 =	sld [smem:$0x3FC9]  }
0x91: {  	s19 =	sld [smem:$0x3FC8]  }
0x92: {  	s4 =	sld [smem:$0x3FD0];
	(tm) =	ssettm $0x1  }
0x93: {  	s5 =	sld [smem:$0x3FFB];
	_ =	sdelay $0x3  }
0x94: {  	_ =	strace s5  }
0x95: {  	s5 =	sld [smem:$0x3FFC];
	_ =	sdelay $0x3  }
0x96: {  	_ =	strace s5  }
0x97: {  	s5 =	sld [smem:$0x3FFD];
	_ =	sdelay $0x3  }
0x98: {  	_ =	strace s5  }
0x99: {  	_ =	strace $0x8FFFFFFF  }
0x9a: {  	s20 =	sld [smem:$0x3FDB];
	_ =	sdelay $0x1  }
0x9b: {  	s6 =	simm.s32 $_scs_section_size  }
0x9c: {  	s7 =	simm.s32 $_size__tile_overlayer_lowered;
	s8 =	simm.s32 $_tile_overlayer_lowered  }
0x9d: {  	s23 =	simm.s32 $0x1BFF;
	s22 =	sshll.u32 s8, $0x1;
	s5 =	sadd.s32 s6, s20  }
0x9e: {  	s9 =	simm.s32 $0x0;
	s21 =	sshll.u32 s7, $0x1;
	s7 =	sadd.s32 s22, s5  }
0x9f: {  	[timem:s9], [sflag:s23] =	dma.local [hbm:s7], s21  }
0xa0: {  	_ =	swait.ge [sflag:s23], s21  }
0xa1: {  	s6 =	ssub.s32 $0x0, s21;
	[sflag:s23] =	ssyncset.done $0x0  }
0xa2: {  	[sflag:s23] =	ssyncadd.s32 s6;
	_ =	sdelay $0x1  }
0xa3: {  	s24 =	simm.s32 $0x1B8B  }
0xa4: {  	_ =	swait.ge [sflag:s24], $0x1  }
0xa5: {  	[sflag:s24] =	ssyncset.done $0x0  }
0xa6: {  	s25 =	simm.s32 $0x1B8E;
	[sflag:s24] =	ssyncadd.s32 $0xFFFFFFFF  }
0xa7: {  	s26 =	simm.s32 $execute0_lowered;
	[smem:$0x3FD2] =	sst s25  }
0xa8: {  	s6 =	sshll.u32 s26, $0x1;
	_ =	strace $0x80000046;
	[dreg:$0x1] =	wrdreg $0xFFFFFFFF  }
0xa9: {  	s28 =	simm.s32 $_size_execute0_lowered;
	s5 =	sadd.s32 s5, s6;
	[dreg:$0x0] =	wrdreg $0x0  }
0xaa: {  	s6 =	sshll.u32 s28, $0x1;
	[dreg:$0x2] =	wrdreg s5  }
0xab: {  	[dreg:$0x3] =	wrdreg s6  }
0xac: {  	[dreg:$0x4] =	wrdreg $0xC0  }
0xad: {  	_ =	task [dreg:s9], $0x5FFFF  }
0xae: {  	[dreg:$0x1] =	wrdreg $0xFFFFFFFF  }
0xaf: {  	[dreg:$0x0] =	wrdreg $0x60  }
0xb0: {  	[dreg:$0x2] =	wrdreg s2  }
0xb1: {  	[dreg:$0x3] =	wrdreg s19  }
0xb2: {  	[dreg:$0x4] =	wrdreg s4  }
0xb3: {  	[dreg:$0x5] =	wrdreg $0x9  }
0xb4: {  	_ =	task.clear_ibuf [dreg:s9], $0x6FFFF;
	_ =	strace $0x90000046  }
0xb5: {  	s29 =	simm.s32 $0x9;
	_ =	strace $0x80000048  }
0xb6: {  	_ =	swait.ge [sflag:s29], $0x1  }
0xb7: {  	[sflag:s29] =	ssyncadd.s32 $0xFFFFFFFF  }
0xb8: {  	_ =	strace $0x90000048  }
0xb9: {  	_ =	sfence  }
0xba: {  	s30 =	sld [smem:$0x0];
	_ =	sdelay $0x2  }
0xbb: {  	s31 =	sshll.u32 s1, $0xD;
	s1 =	sshrl.u32 s1, $0x2  }
0xbc: {  	s3 =	sand.u32 $0x4000, s31;
	s1 =	sadd.s32 s1, s30  }
0xbd: {  	s0 =	sor.u32 s3, s0;
	s1 =	sshll.u32 s1, $0x11  }
0xbe: {  	s0 =	sor.u32 s1, s0  }
0xbf: {  	s0 =	sadd.s32 $0x8F2B, s0  }
0xc0: {  	[sflag:s0] =	ssyncadd.remote.s32 $0x1  }
0xc1: {  	_ =	sfence.sel $0xFFFF  }
0xc2: {  	[dreg:$0x0] =	wrdreg $0xFFFFFFFF;
	(pc) =	sbr.abs _section_cstart, $3  }
0xc3: {  	[dreg:$0x1] =	wrdreg $0xFFFFFFFF  }
0xc4: {  	_ =	task.clear_ibuf [dreg:s9], $0x2FFFF;
	_ =	strace $0x9FFFFFFF  }
0xc5: {  	(tm) =	ssettm $0x7FFFFFFF  }
tec
execute0_lowered:
.L_overlay_start_1:
0x0: {  	(tag) =	ssettag $0x1  }
0x1: {  	s1 =	rddreg [dreg:$0x0]  }
0x2: {  	s7 =	rddreg [dreg:$0x1]  }
0x3: {  	s6 =	rddreg [dreg:$0x2];
	s3 =	srdreg.scid  }
0x4: {  	s0 =	rddreg [dreg:$0x3];
	s2 =	stileid.u32;
	s13 =	simm.s32 $0x2080  }
0x5: {  	s14 =	simm.s32 $0x2880;
	s15 =	simm.s32 $0x3080;
	s16 =	simm.s32 $0x3880  }
0x6: {  	s17 =	simm.s32 $0x4080;
	s18 =	simm.s32 $0x4880;
	s19 =	simm.s32 $0x5080  }
0x7: {  	s20 =	simm.s32 $0x5880;
	s21 =	simm.s32 $0x6080;
	s22 =	simm.s32 $0x6880  }
0x8: {  	s23 =	simm.s32 $0x7080;
	s24 =	simm.s32 $0x7880;
	s8 =	smul.u32 $0x180, s2  }
0x9: {  	s25 =	simm.s32 $0x1;
	s5 =	sand.u32 $0x1, s3;
	s11 =	smul.u32 $0x6000, s2  }
0xa: {  	s26 =	simm.s32 $0x0;
	s3 =	simm.s32 $0x0;
	s10 =	smul.u32 $0xC0, s5  }
0xb: {  	s4 =	ssub.s32 $0x2, s5;
	[smem:$0x7FF] =	sst s3;
	s12 =	smul.u32 $0x3000, s5  }
0xc: {  	s9 =	sshrl.u32 s4, $0x1;
	_ =	strace $0x80000047;
	s6 =	sadd.s32 s11, s6  }
0xd: {  	s11 =	simm.s32 $0x1080;
	s9 =	ssub.s32 s4, s9;
	s4 =	sadd.s32 $0x100, s1  }
0xe: {  	v2 =	vlaneseq.u32;
	s8 =	sadd.s32 s10, s8;
	s6 =	sadd.s32 s12, s6;
	s10 =	simm.s32 $0x880  }
0xf: {  	vm0 =	vmmov $0xffff;
	v1 =	vshrl.u32 v2, $0x3;
	s12 =	simm.s32 $0x1880;
	s5 =	smax.u32 s9, $0x1;
	s8 =	sshrl.u32 s8, $0x3  }
0x10: {  	v0 =	vand.u32 $0x7, v2;
	v2 =	vor.u32 $0x8, v2;
	v1 =	vmul.u32 $0x8, v1;
	s9 =	simm.s32 $0x80;
	s7 =	sadd.s32 s8, s7;
	s8 =	simm.s32 $0x2  }
.LBB2_1:
0x11: {  	s28 =	smov.u32 s6;
	s29 =	simm.s32 $0x0  }
.LBB2_2:
0x12: {  	s30 =	sadd.s32 s29, s7  }
0x13: {  	[tilespmem:s3], [sflag:$0x2] =	stream.linear.gather [hbm4b:s30+s3], $0x40, $0x38;
	[tilespmem:$0x8080] =	vst v63  }
0x14: {  	_ =	swait.ge [sflag:s8], $0x40  }
0x15: {  	[sflag:s8] =	ssyncset.done $0x0  }
0x16: {  	[sflag:s8] =	ssyncadd.s32 $0xFFFFFFC0  }
0x17: {  	v3 =	vld [tilespmem:$0x0];
	_ =	sdelay $0x4  }
0x18: {  	v4 =	vshll.u32 v3, $0x2  }
0x19: {  	v3 =	vand.u32 $0x7, v3;
	v4 =	vand.u32 $0xFFFFFFE0, v4  }
0x1a: {  	v3 =	vor.u32 v3, v4  }
0x1b: {  	v4 =	vperm.xlane v3, v0;
	_ =	sdelay $0x1  }
0x1c: {  	v4 =	vadd.s32 v1, v4;
	_ =	sdelay $0x1  }
0x1d: {  	v3 =	vperm.xlane v3, v2;
	_ =	sdelay $0x1  }
0x1e: {  	v3 =	vadd.s32 v1, v3  }
0x1f: {  	[tilespmem:s9], [sflag:$0x1] =	stream.indirect_vreg.gather [hbm4b:s1+s3], $0x80, v4, vm0, $0xb8;
	[tilespmem:$0x8080] =	vst v63  }
0x20: {  	_ = 	snop  }
0x21: {  	[tilespmem:s10], [sflag:$0x1] =	stream.indirect_vreg.gather [hbm4b:s4+s3], $0x80, v4, vm0, $0xb8;
	[tilespmem:$0x8080] =	vst v63  }
0x22: {  	_ = 	snop  }
0x23: {  	[tilespmem:s11], [sflag:$0x1] =	stream.indirect_vreg.gather [hbm4b:s1+s3], $0x80, v3, vm0, $0xb8;
	[tilespmem:$0x8080] =	vst v63  }
0x24: {  	_ = 	snop  }
0x25: {  	[tilespmem:s12], [sflag:$0x1] =	stream.indirect_vreg.gather [hbm4b:s4+s3], $0x80, v3, vm0, $0xb8;
	[tilespmem:$0x8080] =	vst v63  }
0x26: {  	v3 =	vld [tilespmem:$0x10];
	_ =	sdelay $0x4  }
0x27: {  	v61 =	vshll.u32 v3, $0x2  }
0x28: {  	v3 =	vand.u32 $0x7, v3;
	v4 =	vand.u32 $0xFFFFFFE0, v61  }
0x29: {  	v3 =	vor.u32 v3, v4  }
0x2a: {  	v4 =	vperm.xlane v3, v0;
	_ =	sdelay $0x1  }
0x2b: {  	v4 =	vadd.s32 v1, v4;
	_ =	sdelay $0x1  }
0x2c: {  	v3 =	vperm.xlane v3, v2;
	_ =	sdelay $0x1  }
0x2d: {  	v3 =	vadd.s32 v1, v3  }
0x2e: {  	[tilespmem:s13], [sflag:$0x1] =	stream.indirect_vreg.gather [hbm4b:s1+s3], $0x80, v4, vm0, $0xb8;
	[tilespmem:$0x8080] =	vst v63  }
0x2f: {  	_ = 	snop  }
0x30: {  	[tilespmem:s14], [sflag:$0x1] =	stream.indirect_vreg.gather [hbm4b:s4+s3], $0x80, v4, vm0, $0xb8;
	[tilespmem:$0x8080] =	vst v63  }
0x31: {  	_ = 	snop  }
0x32: {  	[tilespmem:s15], [sflag:$0x1] =	stream.indirect_vreg.gather [hbm4b:s1+s3], $0x80, v3, vm0, $0xb8;
	[tilespmem:$0x8080] =	vst v63  }
0x33: {  	_ = 	snop  }
0x34: {  	[tilespmem:s16], [sflag:$0x1] =	stream.indirect_vreg.gather [hbm4b:s4+s3], $0x80, v3, vm0, $0xb8;
	[tilespmem:$0x8080] =	vst v63  }
0x35: {  	v3 =	vld [tilespmem:$0x20];
	_ =	sdelay $0x4  }
0x36: {  	v62 =	vshll.u32 v3, $0x2  }
0x37: {  	v3 =	vand.u32 $0x7, v3;
	v4 =	vand.u32 $0xFFFFFFE0, v62  }
0x38: {  	v3 =	vor.u32 v3, v4  }
0x39: {  	v4 =	vperm.xlane v3, v0;
	_ =	sdelay $0x1  }
0x3a: {  	v4 =	vadd.s32 v1, v4;
	_ =	sdelay $0x1  }
0x3b: {  	v3 =	vperm.xlane v3, v2;
	_ =	sdelay $0x1  }
0x3c: {  	v3 =	vadd.s32 v1, v3  }
0x3d: {  	[tilespmem:s17], [sflag:$0x1] =	stream.indirect_vreg.gather [hbm4b:s1+s3], $0x80, v4, vm0, $0xb8;
	[tilespmem:$0x8080] =	vst v63  }
0x3e: {  	_ = 	snop  }
0x3f: {  	[tilespmem:s18], [sflag:$0x1] =	stream.indirect_vreg.gather [hbm4b:s4+s3], $0x80, v4, vm0, $0xb8;
	[tilespmem:$0x8080] =	vst v63  }
0x40: {  	_ = 	snop  }
0x41: {  	[tilespmem:s19], [sflag:$0x1] =	stream.indirect_vreg.gather [hbm4b:s1+s3], $0x80, v3, vm0, $0xb8;
	[tilespmem:$0x8080] =	vst v63  }
0x42: {  	_ = 	snop  }
0x43: {  	[tilespmem:s20], [sflag:$0x1] =	stream.indirect_vreg.gather [hbm4b:s4+s3], $0x80, v3, vm0, $0xb8;
	[tilespmem:$0x8080] =	vst v63  }
0x44: {  	v3 =	vld [tilespmem:$0x30];
	_ =	sdelay $0x4  }
0x45: {  	v63 =	vshll.u32 v3, $0x2  }
0x46: {  	v3 =	vand.u32 $0x7, v3;
	v4 =	vand.u32 $0xFFFFFFE0, v63  }
0x47: {  	v3 =	vor.u32 v3, v4  }
0x48: {  	v4 =	vperm.xlane v3, v0;
	_ =	sdelay $0x1  }
0x49: {  	v4 =	vadd.s32 v1, v4;
	_ =	sdelay $0x1  }
0x4a: {  	v3 =	vperm.xlane v3, v2;
	_ =	sdelay $0x1  }
0x4b: {  	v3 =	vadd.s32 v1, v3  }
0x4c: {  	[tilespmem:s21], [sflag:$0x1] =	stream.indirect_vreg.gather [hbm4b:s1+s3], $0x80, v4, vm0, $0xb8;
	[tilespmem:$0x8080] =	vst v63  }
0x4d: {  	_ = 	snop  }
0x4e: {  	[tilespmem:s22], [sflag:$0x1] =	stream.indirect_vreg.gather [hbm4b:s4+s3], $0x80, v4, vm0, $0xb8;
	[tilespmem:$0x8080] =	vst v63  }
0x4f: {  	_ = 	snop  }
0x50: {  	[tilespmem:s23], [sflag:$0x1] =	stream.indirect_vreg.gather [hbm4b:s1+s3], $0x80, v3, vm0, $0xb8;
	[tilespmem:$0x8080] =	vst v63  }
0x51: {  	_ = 	snop  }
0x52: {  	[tilespmem:s24], [sflag:$0x1] =	stream.indirect_vreg.gather [hbm4b:s4+s3], $0x80, v3, vm0, $0xb8;
	[tilespmem:$0x8080] =	vst v63  }
0x53: {  	_ =	swait.ge [sflag:s25], $0x8000  }
0x54: {  	p0 =	sne.s32 s29, $0x10;
	[sflag:s25] =	ssyncset.done $0x0  }
.Ltmp0:
0x55: {  	[sflag:s25] =	ssyncadd.s32 $0xFFFF8000;
	(pc) =	sbr.rel @p0 .LBB2_2-.Ltmp0, $4  }
0x56: {  	[hbm4b:s28+s3] =	stream.linear.scatter [tilespmem:s9], [sflag:$0x2], $0x8000, $0x38;
	[tilespmem:$0x8080] =	vst v63  }
0x57: {  	_ =	swait.ge [sflag:s8], $0x8000  }
0x58: {  	[sflag:s8] =	ssyncset.done $0x0  }
0x59: {  	s29 =	sadd.s32 $0x8, s29;
	s28 =	sadd.s32 $0x1000, s28;
	[sflag:s8] =	ssyncadd.s32 $0xFFFF8000  }
0x5a: {  	s26 =	sadd.s32 $0x1, s26  }
0x5b: {  	p0 =	sne.s32 s26, s5  }
.Ltmp1:
0x5c: {  	_ = 	snop;
	(pc) =	sbr.rel @p0 .LBB2_1-.Ltmp1, $1  }
0x5d: {  	_ =	sdelay $0x3  }
0x5e: {  	_ =	sfence.sel $0x180000  }
0x5f: {  	[bflag:$0x0] =	sbarrier.arrive $0xFFFF  }
0x60: {  	p0 =	sne.s32 s2, $0x0;
	_ =	strace $0x90000047  }
0x61: {  	s0 =	sadd.s32 @!p0 $0x100000, s0;
	[bflag:$0x2] =	sbarrier.arrive $0xFFFF  }
0x62: {  	[sflag:s0] =	ssyncadd.tile.s32 @!p0 $0x1;
	_ =	shalt  }
.Lfunc_end2:
_tile_overlayer_lowered:
.L_overlay_start_2:
0x63: {  	(tag) =	ssettag $0x2  }
0x64: {  	s0 =	rddreg [dreg:$0x0];
	s2 =	stileid.u32  }
0x65: {  	s1 =	rddreg [dreg:$0x1];
	p0 =	sne.s32 s2, $0x0  }
0x66: {  	s3 =	rddreg [dreg:$0x2];
	[bflag:$0x3] =	sbarrier.arrive $0xFFFF;
	s2 =	simm.s32 @!p0 $0x1C02  }
0x67: {  	[timem:s3], [sflag:s2] =	dma.local @!p0 [hbm:s0], s1  }
0x68: {  	s0 =	simm.s32 @!p0 $0x2  }
0x69: {  	_ =	swait.ge @!p0 [sflag:s0], s1  }
0x6a: {  	s1 =	ssub.s32 @!p0 $0x0, s1;
	[sflag:s0] =	ssyncset.done @!p0 $0x0  }
0x6b: {  	[sflag:s0] =	ssyncadd.s32 @!p0 s1  }
0x6c: {  	[bflag:$0x3] =	sbarrier.arrive $0xFFFF  }
0x6d: {  	_ =	shalt  }

</sc_bundles>
